<compile_context>
chip_gen: v7x
topology: tpu7x:2x2x1
jax: 0.10.2.dev20260603
libtpu: 0.0.44.dev20260713+nightly
codegen_flags: <defaults>
</compile_context>

<pallas_src>
import functools

import jax
import jax.numpy as jnp
from jax import lax
from jax.experimental import pallas as pl
from jax.experimental.pallas import tpu as pltpu
from jax.experimental.pallas import tpu_sc as plsc

CHANS, SEQ, FEAT = 8, 4096, 1024
N_ROWS = SEQ // 4
ROWS = CHANS * SEQ
LANES = 16
NW = 32
SEG = SEQ // NW
CHUNK_R = 64
VECS = FEAT // LANES


def _sc_stream_body(x_hbm, idxs_hbm, warp_hbm, out_hbm, idx_v, warp_v, scale_v, buf, sem):
    wid = lax.axis_index("s") * 2 + lax.axis_index("c")
    seg_lo = wid * SEG

    pltpu.sync_copy(idxs_hbm, idx_v)
    pltpu.sync_copy(warp_hbm, warp_v)

    def init_body(i, carry):
        scale_v[pl.ds(i * LANES, LANES)] = jnp.full((LANES,), 1.0, jnp.float32)
        return carry

    lax.fori_loop(0, SEG // LANES, init_body, 0)

    def scat_body(i, carry):
        idx_chunk = idx_v[pl.ds(i * LANES, LANES)]
        w_chunk = warp_v[pl.ds(i * LANES, LANES)]
        local = idx_chunk - seg_lo
        mask = (local >= 0) & (local < SEG)
        plsc.store_scatter(scale_v, [local], w_chunk, mask=mask)
        return carry

    lax.fori_loop(0, N_ROWS // LANES, scat_body, 0)

    def chunk_body(k, carry):
        c = k // (SEG // CHUNK_R)
        o = k % (SEG // CHUNK_R)
        row_lo = c * SEQ + seg_lo + o * CHUNK_R
        pltpu.sync_copy(x_hbm.at[pl.ds(row_lo, CHUNK_R)], buf)

        def row_body(r, rcarry):
            splat = plsc.load_gather(
                scale_v, [jnp.full((LANES,), o * CHUNK_R, jnp.int32) + r]
            )

            def vec_body(j, vcarry):
                buf[r, pl.ds(j * LANES, LANES)] = (
                    buf[r, pl.ds(j * LANES, LANES)] * splat
                )
                return vcarry

            lax.fori_loop(0, VECS, vec_body, 0)
            return rcarry

        lax.fori_loop(0, CHUNK_R, row_body, 0)
        pltpu.sync_copy(buf, out_hbm.at[pl.ds(row_lo, CHUNK_R)])
        return carry

    lax.fori_loop(0, CHANS * (SEG // CHUNK_R), chunk_body, 0)


_sc_stream = functools.partial(
    pl.kernel,
    out_type=jax.ShapeDtypeStruct((ROWS, FEAT), jnp.float32),
    mesh=plsc.VectorSubcoreMesh(core_axis_name="c", subcore_axis_name="s"),
    scratch_types=[
        pltpu.VMEM((N_ROWS,), jnp.int32),
        pltpu.VMEM((N_ROWS,), jnp.float32),
        pltpu.VMEM((SEG,), jnp.float32),
        pltpu.VMEM((CHUNK_R, FEAT), jnp.float32),
        pltpu.SemaphoreType.DMA,
    ],
    compiler_params=pltpu.CompilerParams(needs_layout_passes=False),
)(_sc_stream_body)


def kernel(x, idxs, warp):
    out2d = _sc_stream(x.reshape(ROWS, FEAT), idxs, warp.reshape(N_ROWS))
    return out2d.reshape(CHANS, SEQ, FEAT)

# --- scband reference (transcript-rebuilt; emitter-appended) ---
"""Pipeline reference for scband-random-row-scale-69217692942486 (READ-ONLY COPY).

The authoritative reference and input builder live on the scoring server;
editing this copy changes nothing except your own understanding.
"""

import jax, jax.numpy as jnp
import numpy as np

CHANS, SEQ, FEAT = 8, 4096, 1024
FRAC_ROWS = 0.25
MAG = (0.8, 1.2)
N_ROWS = int(SEQ * FRAC_ROWS)

def setup_inputs(seed: int = 0) -> dict:
    key = jax.random.key(seed)
    k1, k2, k3 = jax.random.split(key, 3)
    x = jax.random.normal(k1, (CHANS, SEQ, FEAT), dtype=jnp.float32)
    # shuffled row indices, first n_rows taken (unique indices, like np.random.shuffle)
    idxs = jax.random.permutation(k2, SEQ)[:N_ROWS].astype(jnp.int32)
    # per-selected-row scale factors, broadcast over feature dim via trailing axis of size 1
    warp = jax.random.uniform(k3, (N_ROWS, 1), minval=MAG[0], maxval=MAG[1], dtype=jnp.float32)
    return {"x": x, "idxs": idxs, "warp": warp}

def reference(x, idxs, warp):
    # p=1.0 so the augmentation always fires.
    # x[:, idxs] = x[:, idxs] * warp  (gather rows, scale, scatter-overwrite back)
    gathered = jnp.take(x, idxs, axis=1)              # [chans, n_rows, feat]
    scaled = gathered * warp[None, :, :]              # broadcast [n_rows, 1] over feat
    out = x.at[:, idxs].set(scaled)
    return out

if __name__ == "__main__":
    import jax
    _d = setup_inputs()
    print(jax.jit(kernel)(*tuple(_d.values())))

</pallas_src>

<mosaic_0001>
#map = affine_map<(d0, d1) -> (0, 0)>
#map1 = affine_map<(d0, d1) -> (0)>
module attributes {stable_mosaic.version = 14 : i64} {
  func.func @_sc_stream_body(%arg0: i32, %arg1: i32, %arg2: memref<32768x1024xf32, #tpu.memory_space<hbm>>, %arg3: memref<1024xi32, #tpu.memory_space<hbm>>, %arg4: memref<1024xf32, #tpu.memory_space<hbm>>, %arg5: memref<32768x1024xf32, #tpu.memory_space<hbm>>, %arg6: memref<1024xi32, #tpu.memory_space<vmem>>, %arg7: memref<1024xf32, #tpu.memory_space<vmem>>, %arg8: memref<128xf32, #tpu.memory_space<vmem>>, %arg9: memref<64x1024xf32, #tpu.memory_space<vmem>>, %arg10: memref<!tpu.dma_semaphore, #tpu.memory_space<semaphore_mem>>) attributes {dimension_semantics = [#tpu.dimension_semantics<core_parallel>, #tpu.dimension_semantics<subcore_parallel>], iteration_bounds = array<i64: 2, 16>, scalar_prefetch = 0 : i64, scratch_operands = 5 : i64, tpu.core_type = #tpu.core_type<sc_vector_subcore>, window_params = [{transform_indices = #map}, {transform_indices = #map1}, {transform_indices = #map1}, {transform_indices = #map}]} {
    %mul3A = arith.constant 2 : i32
    %mul3A_0 = arith.muli %arg1, %mul3A : i32
    %add3A = arith.addi %mul3A_0, %arg0 : i32
    %mul3A_1 = arith.constant 128 : i32
    %mul3A_2 = arith.muli %add3A, %mul3A_1 : i32
    "tpu.region"() ({
      %run_scoped3A = tpu.sem_alloc : memref<!tpu.dma_semaphore, #tpu.memory_space<semaphore_mem>>
      tpu.enqueue_dma source(%arg3 : memref<1024xi32, #tpu.memory_space<hbm>>) target(%arg6 : memref<1024xi32, #tpu.memory_space<vmem>>) target_semaphore(%run_scoped3A : memref<!tpu.dma_semaphore, #tpu.memory_space<semaphore_mem>>)
      tpu.wait_dma2 semaphore(%run_scoped3A : memref<!tpu.dma_semaphore, #tpu.memory_space<semaphore_mem>>) src(%arg3 : memref<1024xi32, #tpu.memory_space<hbm>>) dst(%arg6 : memref<1024xi32, #tpu.memory_space<vmem>>)
      tpu.yield
    }) : () -> ()
    "tpu.region"() ({
      %run_scoped3A = tpu.sem_alloc : memref<!tpu.dma_semaphore, #tpu.memory_space<semaphore_mem>>
      tpu.enqueue_dma source(%arg4 : memref<1024xf32, #tpu.memory_space<hbm>>) target(%arg7 : memref<1024xf32, #tpu.memory_space<vmem>>) target_semaphore(%run_scoped3A : memref<!tpu.dma_semaphore, #tpu.memory_space<semaphore_mem>>)
      tpu.wait_dma2 semaphore(%run_scoped3A : memref<!tpu.dma_semaphore, #tpu.memory_space<semaphore_mem>>) src(%arg4 : memref<1024xf32, #tpu.memory_space<hbm>>) dst(%arg7 : memref<1024xf32, #tpu.memory_space<vmem>>)
      tpu.yield
    }) : () -> ()
    %scan3A = arith.constant 0 : i32
    %scan3A_3 = arith.constant 0 : i32
    %scan3A_4 = arith.constant 8 : i32
    %scan3A_5 = arith.addi %scan3A_3, %scan3A_4 : i32
    %scan3A_6 = arith.constant 1 : i32
    scf.for %scan3A_20 = %scan3A_3 to %scan3A_5 step %scan3A_6  : i32 {
      %broadcast_in_dim3A = arith.constant 1.000000e+00 : f32
      %broadcast_in_dim3A_21 = vector.broadcast %broadcast_in_dim3A : f32 to vector<16xf32>
      %mul3A_22 = arith.constant 16 : i32
      %mul3A_23 = arith.muli %scan3A_20, %mul3A_22 : i32
      %swap3A = arith.index_cast %mul3A_23 : i32 to index
      %swap3A_24 = tpu.vector_load %arg8[%swap3A] {strides = array<i32>} : memref<128xf32, #tpu.memory_space<vmem>>, vector<16xf32>,
      tpu.vector_store %arg8[%swap3A], %broadcast_in_dim3A_21 {strides = array<i32>} : memref<128xf32, #tpu.memory_space<vmem>>, vector<16xf32>,
    }
    %scan3A_7 = arith.constant 8 : i32
    %scan3A_8 = arith.constant 0 : i32
    %scan3A_9 = arith.constant 0 : i32
    %scan3A_10 = arith.constant 64 : i32
    %scan3A_11 = arith.addi %scan3A_9, %scan3A_10 : i32
    %scan3A_12 = arith.constant 1 : i32
    scf.for %scan3A_20 = %scan3A_9 to %scan3A_11 step %scan3A_12  : i32 {
      %mul3A_21 = arith.constant 16 : i32
      %mul3A_22 = arith.muli %scan3A_20, %mul3A_21 : i32
      %get3A = arith.index_cast %mul3A_22 : i32 to index
      %get3A_23 = tpu.vector_load %arg6[%get3A] {strides = array<i32>} : memref<1024xi32, #tpu.memory_space<vmem>>, vector<16xi32>,
      %mul3A_24 = arith.constant 16 : i32
      %mul3A_25 = arith.muli %scan3A_20, %mul3A_24 : i32
      %get3A_26 = arith.index_cast %mul3A_25 : i32 to index
      %get3A_27 = tpu.vector_load %arg7[%get3A_26] {strides = array<i32>} : memref<1024xf32, #tpu.memory_space<vmem>>, vector<16xf32>,
      %sub3A = vector.broadcast %mul3A_2 : i32 to vector<16xi32>
      %sub3A_28 = arith.subi %get3A_23, %sub3A : vector<16xi32>
      %ge3A = arith.constant 0 : i32
      %ge3A_29 = vector.broadcast %ge3A : i32 to vector<16xi32>
      %ge3A_30 = arith.cmpi sge, %sub3A_28, %ge3A_29 : vector<16xi32>
      %lt3A = arith.constant 128 : i32
      %lt3A_31 = vector.broadcast %lt3A : i32 to vector<16xi32>
      %lt3A_32 = arith.cmpi slt, %sub3A_28, %lt3A_31 : vector<16xi32>
      %and3A = arith.andi %ge3A_30, %lt3A_32 : vector<16xi1>
      tpu.vector_store_idx %arg8[%sub3A_28], %get3A_27 masked %and3A : memref<128xf32, #tpu.memory_space<vmem>>[vector<16xi32>], vector<16xf32>, vector<16xi1>
    }
    %scan3A_13 = arith.constant 64 : i32
    %scan3A_14 = arith.constant 0 : i32
    %scan3A_15 = arith.constant 0 : i32
    %scan3A_16 = arith.constant 16 : i32
    %scan3A_17 = arith.addi %scan3A_15, %scan3A_16 : i32
    %scan3A_18 = arith.constant 1 : i32
    scf.for %scan3A_20 = %scan3A_15 to %scan3A_17 step %scan3A_18  : i32 {
      %jit3A = arith.constant 2 : i32
      %div3A = arith.divsi %scan3A_20, %jit3A : i32
      %sign3A = arith.constant 0 : i32
      %sign3A_21 = arith.cmpi sgt, %scan3A_20, %sign3A : i32
      %sign3A_22 = arith.extui %sign3A_21 : i1 to i32
      %sign3A_23 = arith.constant 0 : i32
      %sign3A_24 = arith.cmpi slt, %scan3A_20, %sign3A_23 : i32
      %sign3A_25 = arith.extui %sign3A_24 : i1 to i32
      %sign3A_26 = arith.subi %sign3A_22, %sign3A_25 : i32
      %sign3A_27 = arith.constant 0 : i32
      %sign3A_28 = arith.cmpi sgt, %jit3A, %sign3A_27 : i32
      %sign3A_29 = arith.extui %sign3A_28 : i1 to i32
      %sign3A_30 = arith.constant 0 : i32
      %sign3A_31 = arith.cmpi slt, %jit3A, %sign3A_30 : i32
      %sign3A_32 = arith.extui %sign3A_31 : i1 to i32
      %sign3A_33 = arith.subi %sign3A_29, %sign3A_32 : i32
      %ne3A = arith.cmpi ne, %sign3A_26, %sign3A_33 : i32
      %rem3A = arith.remsi %scan3A_20, %jit3A : i32
      %ne3A_34 = arith.constant 0 : i32
      %ne3A_35 = arith.cmpi ne, %rem3A, %ne3A_34 : i32
      %and3A = arith.andi %ne3A, %ne3A_35 : i1
      %sub3A = arith.constant 1 : i32
      %sub3A_36 = arith.subi %div3A, %sub3A : i32
      %select_n3A = arith.select %and3A, %sub3A_36, %div3A : i32
      %jit3A_37 = arith.constant 2 : i32
      %eq3A = arith.constant 0 : i32
      %eq3A_38 = arith.cmpi eq, %jit3A_37, %eq3A : i32
      %jit3A_39 = arith.constant 1 : i32
      %select_n3A_40 = arith.select %eq3A_38, %jit3A_39, %jit3A_37 : i32
      %rem3A_41 = arith.remsi %scan3A_20, %select_n3A_40 : i32
      %ne3A_42 = arith.constant 0 : i32
      %ne3A_43 = arith.cmpi ne, %rem3A_41, %ne3A_42 : i32
      %lt3A = arith.constant 0 : i32
      %lt3A_44 = arith.cmpi slt, %rem3A_41, %lt3A : i32
      %lt3A_45 = arith.constant 0 : i32
      %lt3A_46 = arith.cmpi slt, %select_n3A_40, %lt3A_45 : i32
      %ne3A_47 = arith.xori %lt3A_44, %lt3A_46 : i1
      %and3A_48 = arith.andi %ne3A_47, %ne3A_43 : i1
      %add3A_49 = arith.addi %rem3A_41, %select_n3A_40 : i32
      %select_n3A_50 = arith.select %and3A_48, %add3A_49, %rem3A_41 : i32
      %mul3A_51 = arith.constant 4096 : i32
      %mul3A_52 = arith.muli %select_n3A, %mul3A_51 : i32
      %add3A_53 = arith.addi %mul3A_52, %mul3A_2 : i32
      %mul3A_54 = arith.constant 64 : i32
      %mul3A_55 = arith.muli %select_n3A_50, %mul3A_54 : i32
      %add3A_56 = arith.addi %add3A_53, %mul3A_55 : i32
      "tpu.region"() ({
        %run_scoped3A = tpu.sem_alloc : memref<!tpu.dma_semaphore, #tpu.memory_space<semaphore_mem>>
        %dma_start3A = arith.constant 0 : i32
        %dma_start3A_63 = tpu.memref_slice %arg2[%add3A_56, %dma_start3A] : memref<32768x1024xf32, #tpu.memory_space<hbm>> -> memref<64x1024xf32, #tpu.memory_space<hbm>>
        %dma_start3A_64 = arith.constant 0 : i32
        %dma_start3A_65 = tpu.memref_slice %arg2[%add3A_56, %dma_start3A_64] : memref<32768x1024xf32, #tpu.memory_space<hbm>> -> memref<64x1024xf32, #tpu.memory_space<hbm>>
        tpu.enqueue_dma source(%dma_start3A_65 : memref<64x1024xf32, #tpu.memory_space<hbm>>) target(%arg9 : memref<64x1024xf32, #tpu.memory_space<vmem>>) target_semaphore(%run_scoped3A : memref<!tpu.dma_semaphore, #tpu.memory_space<semaphore_mem>>)
        %dma_wait3A = arith.constant 0 : i32
        %dma_wait3A_66 = tpu.memref_slice %arg2[%add3A_56, %dma_wait3A] : memref<32768x1024xf32, #tpu.memory_space<hbm>> -> memref<64x1024xf32, #tpu.memory_space<hbm>>
        %dma_wait3A_67 = arith.constant 0 : i32
        %dma_wait3A_68 = tpu.memref_slice %arg2[%add3A_56, %dma_wait3A_67] : memref<32768x1024xf32, #tpu.memory_space<hbm>> -> memref<64x1024xf32, #tpu.memory_space<hbm>>
        tpu.wait_dma2 semaphore(%run_scoped3A : memref<!tpu.dma_semaphore, #tpu.memory_space<semaphore_mem>>) src(%dma_wait3A_68 : memref<64x1024xf32, #tpu.memory_space<hbm>>) dst(%arg9 : memref<64x1024xf32, #tpu.memory_space<vmem>>)
        tpu.yield
      }) : () -> ()
      %scan3A_57 = arith.constant 0 : i32
      %scan3A_58 = arith.constant 0 : i32
      %scan3A_59 = arith.constant 64 : i32
      %scan3A_60 = arith.addi %scan3A_58, %scan3A_59 : i32
      %scan3A_61 = arith.constant 1 : i32
      scf.for %scan3A_63 = %scan3A_58 to %scan3A_60 step %scan3A_61  : i32 {
        %mul3A_64 = arith.constant 64 : i32
        %mul3A_65 = arith.muli %select_n3A_50, %mul3A_64 : i32
        %broadcast_in_dim3A = vector.broadcast %mul3A_65 : i32 to vector<16xi32>
        %add3A_66 = vector.broadcast %scan3A_63 : i32 to vector<16xi32>
        %add3A_67 = arith.addi %broadcast_in_dim3A, %add3A_66 : vector<16xi32>
        %gather3A = tpu.vector_load_idx %arg8[%add3A_67] : memref<128xf32, #tpu.memory_space<vmem>>[vector<16xi32>], vector<16xf32>,
        %scan3A_68 = arith.constant 0 : i32
        %scan3A_69 = arith.constant 0 : i32
        %scan3A_70 = arith.constant 64 : i32
        %scan3A_71 = arith.addi %scan3A_69, %scan3A_70 : i32
        %scan3A_72 = arith.constant 1 : i32
        scf.for %scan3A_74 = %scan3A_69 to %scan3A_71 step %scan3A_72  : i32 {
          %mul3A_75 = arith.constant 16 : i32
          %mul3A_76 = arith.muli %scan3A_74, %mul3A_75 : i32
          %get3A = arith.index_cast %scan3A_63 : i32 to index
          %get3A_77 = arith.index_cast %mul3A_76 : i32 to index
          %get3A_78 = tpu.vector_load %arg9[%get3A, %get3A_77] {strides = array<i32>} : memref<64x1024xf32, #tpu.memory_space<vmem>>, vector<16xf32>,
          %mul3A_79 = arith.mulf %get3A_78, %gather3A : vector<16xf32>
          %mul3A_80 = arith.constant 16 : i32
          %mul3A_81 = arith.muli %scan3A_74, %mul3A_80 : i32
          %swap3A = arith.index_cast %scan3A_63 : i32 to index
          %swap3A_82 = arith.index_cast %mul3A_81 : i32 to index
          %swap3A_83 = tpu.vector_load %arg9[%swap3A, %swap3A_82] {strides = array<i32>} : memref<64x1024xf32, #tpu.memory_space<vmem>>, vector<16xf32>,
          tpu.vector_store %arg9[%swap3A, %swap3A_82], %mul3A_79 {strides = array<i32>} : memref<64x1024xf32, #tpu.memory_space<vmem>>, vector<16xf32>,
        }
        %scan3A_73 = arith.constant 64 : i32
      }
      %scan3A_62 = arith.constant 64 : i32
      "tpu.region"() ({
        %run_scoped3A = tpu.sem_alloc : memref<!tpu.dma_semaphore, #tpu.memory_space<semaphore_mem>>
        %dma_start3A = arith.constant 0 : i32
        %dma_start3A_63 = tpu.memref_slice %arg5[%add3A_56, %dma_start3A] : memref<32768x1024xf32, #tpu.memory_space<hbm>> -> memref<64x1024xf32, #tpu.memory_space<hbm>>
        %dma_start3A_64 = arith.constant 0 : i32
        %dma_start3A_65 = tpu.memref_slice %arg5[%add3A_56, %dma_start3A_64] : memref<32768x1024xf32, #tpu.memory_space<hbm>> -> memref<64x1024xf32, #tpu.memory_space<hbm>>
        tpu.enqueue_dma source(%arg9 : memref<64x1024xf32, #tpu.memory_space<vmem>>) target(%dma_start3A_65 : memref<64x1024xf32, #tpu.memory_space<hbm>>) target_semaphore(%run_scoped3A : memref<!tpu.dma_semaphore, #tpu.memory_space<semaphore_mem>>)
        %dma_wait3A = arith.constant 0 : i32
        %dma_wait3A_66 = tpu.memref_slice %arg5[%add3A_56, %dma_wait3A] : memref<32768x1024xf32, #tpu.memory_space<hbm>> -> memref<64x1024xf32, #tpu.memory_space<hbm>>
        %dma_wait3A_67 = arith.constant 0 : i32
        %dma_wait3A_68 = tpu.memref_slice %arg5[%add3A_56, %dma_wait3A_67] : memref<32768x1024xf32, #tpu.memory_space<hbm>> -> memref<64x1024xf32, #tpu.memory_space<hbm>>
        tpu.wait_dma2 semaphore(%run_scoped3A : memref<!tpu.dma_semaphore, #tpu.memory_space<semaphore_mem>>) src(%arg9 : memref<64x1024xf32, #tpu.memory_space<vmem>>) dst(%dma_wait3A_68 : memref<64x1024xf32, #tpu.memory_space<hbm>>)
        tpu.yield
      }) : () -> ()
    }
    %scan3A_19 = arith.constant 16 : i32
    return
  }
}

</mosaic_0001>

<sc_bundles>
// kernel: kernel.3.cloned.1.call-start
scs
__scs_entry_jumppad:
0x0: {  	(pc) =	sbr.rel $0x88, $3  }
0x1: {  	(tag) =	ssettag $0x0;
	lr =	simm.s32 $0x1  }
0x2: {  	[smem:$0x3F9E] =	sst lr;
	_ =	strace $0xD0000000  }
0x3: {  	_ = 	snop  }
0x4: {  	_ = 	snop  }
0x5: {  	_ = 	snop  }
0x6: {  	_ = 	snop  }
0x7: {  	_ = 	snop  }
__scs_overlays_trampoline_lowered:
0x8: {  	[smem:$0x3FAD] =	sst s0  }
0x9: {  	[smem:$0x3FAE] =	sst s1  }
0xa: {  	[smem:$0x3FAF] =	sst s2  }
0xb: {  	[smem:$0x3FB0] =	sst s3  }
0xc: {  	[smem:$0x3FB1] =	sst s4  }
0xd: {  	[smem:$0x3FB2] =	sst s5  }
0xe: {  	[smem:$0x3FB3] =	sst s6  }
0xf: {  	[smem:$0x3FB4] =	sst s7  }
0x10: {  	[smem:$0x3FB5] =	sst s8  }
0x11: {  	[smem:$0x3FB6] =	sst s9;
	s0 =	simm.s32 @!p0 $0x0  }
0x12: {  	s1 =	sld [smem:$0x3F9C];
	s0 =	simm.s32 @p0 $0x1  }
0x13: {  	[smem:$0x3FB7] =	sst s0;
	s0 =	simm.s32 @!p1 $0x0  }
0x14: {  	s2 =	sld [smem:$0x3F9B];
	s0 =	simm.s32 @p1 $0x1  }
0x15: {  	[smem:$0x3FB8] =	sst s0;
	s0 =	simm.s32 @!p2 $0x0  }
0x16: {  	s3 =	sld [smem:$0x3FDB];
	s0 =	simm.s32 @p2 $0x1  }
0x17: {  	s4 =	simm.s32 $0x1BF5;
	[smem:$0x3FBA] =	sst s0  }
0x18: {  	s0 =	sld [smem:$0x3F9D];
	_ =	swait.ge [sflag:s4], $0x0  }
0x19: {  	s7 =	sld [smem:$0x3F9E]  }
0x1a: {  	s8 =	sadd.s32 $0xFFFFE003, lr  }
0x1b: {  	s9 =	sadd.s32 $0xFFFFFEF7, lr;
	s5 =	simm.s32 $0xFFFFFFFF;
	p2 =	slt.u32 s8, $0xFFFFF086  }
0x1c: {  	p1 =	slt.u32 s9, $0xF7A;
	s5 =	simm.s32 @!p2 $0x0  }
0x1d: {  	s5 =	simm.s32 @p1 $0x1;
	p0 =	seq.s32 s7, s2  }
0x1e: {  	s7 =	smul.u32 @!p0 $0xF7A, s2;
	p2 =	seq.s32 @!p0 s5, $0x0  }
0x1f: {  	s9 =	smul.u32 $0xF7A, s1;
	s8 =	simm.s32 @!p0 $0x1BF5;
	p2 =	por !p2, p0  }
0x20: {  	[sflag:s8] =	ssyncset.s32 @!p0 $0xFFFFF086;
	s6 =	sadd.s32 @!p0 s3, s7;
	s7 =	simm.s32 @!p0 $0x108  }
0x21: {  	s3 =	sadd.s32 s3, s9;
	s6 =	sadd.s32 @!p0 $0x88, s6;
	s7 =	simm.s32 @p2 $0x1082  }
0x22: {  	[simem:s7], [sflag:s8] =	dma.local @!p0 [hbm:s6], $0xF7A  }
0x23: {  	s9 =	sor.u32 $0xD0000000, s2;
	s6 =	simm.s32 $0x108;
	_ =	swait.ge @!p0 [sflag:s8], $0x0  }
0x24: {  	s3 =	sadd.s32 $0x88, s3;
	s6 =	simm.s32 @!p1 $0x1082;
	[sflag:s4] =	ssyncset.s32 $0xFFFFF086  }
0x25: {  	[simem:s6], [sflag:s4] =	dma.local [hbm:s3], $0xF7A  }
0x26: {  	[smem:$0x3F9E] =	sst s1;
	(tag) =	ssettag s2;
	_ =	strace s9  }
0x27: {  	s1 =	sld [smem:$0x3FAE]  }
0x28: {  	s2 =	sld [smem:$0x3FAF]  }
0x29: {  	s4 =	sld [smem:$0x3FB1]  }
0x2a: {  	p0 =	seq.s32 s5, $0x0;
	s5 =	sld [smem:$0x3FB2]  }
0x2b: {  	s6 =	sld [smem:$0x3FB3]  }
0x2c: {  	s7 =	sld [smem:$0x3FB4]  }
0x2d: {  	s3 =	simm.s32 $0x108;
	s8 =	sld [smem:$0x3FB5]  }
0x2e: {  	s3 =	simm.s32 @!p0 $0x1082;
	s9 =	sld [smem:$0x3FB6]  }
0x2f: {  	lr =	sadd.s32 s0, s3;
	s0 =	sld [smem:$0x3FAD]  }
0x30: {  	s3 =	sld [smem:$0x3FB0]  }
0x31: {  	[smem:$0x3FB9] =	sst s10  }
0x32: {  	s10 =	sld [smem:$0x3FB7];
	_ =	sdelay $0x3  }
0x33: {  	p0 =	seq.s32 s10, $0x1;
	s10 =	sld [smem:$0x3FB9];
	_ =	sdelay $0x3  }
0x34: {  	[smem:$0x3FB9] =	sst s10  }
0x35: {  	s10 =	sld [smem:$0x3FB8];
	_ =	sdelay $0x3  }
0x36: {  	p1 =	seq.s32 s10, $0x1;
	s10 =	sld [smem:$0x3FB9];
	_ =	sdelay $0x3  }
0x37: {  	[smem:$0x3FB9] =	sst s10  }
0x38: {  	s10 =	sld [smem:$0x3FBA]  }
0x39: {  	_ = 	snop;
	(pc) =	sbr.ind lr, $3  }
0x3a: {  	_ = 	snop  }
0x3b: {  	_ = 	snop  }
0x3c: {  	p2 =	seq.s32 s10, $0x1;
	s10 =	sld [smem:$0x3FB9]  }
0x3d: {  	_ =	shalt  }
0x3e: {  	_ =	shalt  }
0x3f: {  	_ =	shalt  }
0x40: {  	_ =	shalt  }
0x41: {  	_ =	shalt  }
0x42: {  	_ =	shalt  }
0x43: {  	_ =	shalt  }
0x44: {  	_ =	shalt  }
0x45: {  	_ =	shalt  }
0x46: {  	_ =	shalt  }
0x47: {  	_ =	shalt  }
0x48: {  	_ =	shalt  }
0x49: {  	_ =	shalt  }
0x4a: {  	_ =	shalt  }
0x4b: {  	_ =	shalt  }
0x4c: {  	_ =	shalt  }
0x4d: {  	_ =	shalt  }
0x4e: {  	_ =	shalt  }
0x4f: {  	_ =	shalt  }
0x50: {  	_ =	shalt  }
0x51: {  	_ =	shalt  }
0x52: {  	_ =	shalt  }
0x53: {  	_ =	shalt  }
0x54: {  	_ =	shalt  }
0x55: {  	_ =	shalt  }
0x56: {  	_ =	shalt  }
0x57: {  	_ =	shalt  }
0x58: {  	_ =	shalt  }
0x59: {  	_ =	shalt  }
0x5a: {  	_ =	shalt  }
0x5b: {  	_ =	shalt  }
0x5c: {  	_ =	shalt  }
0x5d: {  	_ =	shalt  }
0x5e: {  	_ =	shalt  }
0x5f: {  	_ =	shalt  }
0x60: {  	_ =	shalt  }
0x61: {  	_ =	shalt  }
0x62: {  	_ =	shalt  }
0x63: {  	_ =	shalt  }
0x64: {  	_ =	shalt  }
0x65: {  	_ =	shalt  }
0x66: {  	_ =	shalt  }
0x67: {  	_ =	shalt  }
0x68: {  	_ =	shalt  }
0x69: {  	_ =	shalt  }
0x6a: {  	_ =	shalt  }
0x6b: {  	_ =	shalt  }
0x6c: {  	_ =	shalt  }
0x6d: {  	_ =	shalt  }
0x6e: {  	_ =	shalt  }
0x6f: {  	_ =	shalt  }
0x70: {  	_ =	shalt  }
0x71: {  	_ =	shalt  }
0x72: {  	_ =	shalt  }
0x73: {  	_ =	shalt  }
0x74: {  	_ =	shalt  }
0x75: {  	_ =	shalt  }
0x76: {  	_ =	shalt  }
0x77: {  	_ =	shalt  }
0x78: {  	_ =	shalt  }
0x79: {  	_ =	shalt  }
0x7a: {  	_ =	shalt  }
0x7b: {  	_ =	shalt  }
0x7c: {  	_ =	shalt  }
0x7d: {  	_ =	shalt  }
0x7e: {  	_ =	shalt  }
0x7f: {  	_ =	shalt  }
0x80: {  	_ =	shalt  }
0x81: {  	_ =	shalt  }
0x82: {  	_ =	shalt  }
0x83: {  	_ =	shalt  }
0x84: {  	_ =	shalt  }
0x85: {  	_ =	shalt  }
0x86: {  	_ =	shalt  }
0x87: {  	_ =	shalt  }
.Lfunc_end0:
.L_simem_size_0:
called_computation_lowered:
.L_overlay_start_0:
0x88: {  	s2 =	sld [smem:$0x3FD9]  }
0x89: {  	s3 =	sld [smem:$0x3FFE];
	_ =	sdelay $0x1  }
0x8a: {  	s1 =	srdreg.scid  }
0x8b: {  	s0 =	sand.u32 $0x1, s1  }
0x8c: {  	s18 =	sshll.u32 s0, $0xA;
	s2 =	sadd.s32 s3, s2  }
0x8d: {  	s2 =	sadd.s32 s2, s18  }
0x8e: {  	[smem:$0x3FC5] =	sst s2  }
0x8f: {  	_ = 	snop  }
0x90: {  	s2 =	sld [smem:$0x3FC9]  }
0x91: {  	s19 =	sld [smem:$0x3FC8]  }
0x92: {  	s4 =	sld [smem:$0x3FC7]  }
0x93: {  	s5 =	sld [smem:$0x3FD0];
	(tm) =	ssettm $0x1  }
0x94: {  	s6 =	sld [smem:$0x3FFB];
	_ =	sdelay $0x3  }
0x95: {  	_ =	strace s6  }
0x96: {  	s6 =	sld [smem:$0x3FFC];
	_ =	sdelay $0x3  }
0x97: {  	_ =	strace s6  }
0x98: {  	s6 =	sld [smem:$0x3FFD];
	_ =	sdelay $0x3  }
0x99: {  	_ =	strace s6  }
0x9a: {  	_ =	strace $0x8FFFFFFF  }
0x9b: {  	s20 =	sld [smem:$0x3FDB];
	_ =	sdelay $0x1  }
0x9c: {  	s7 =	simm.s32 $_scs_section_size  }
0x9d: {  	s8 =	simm.s32 $_size__tile_overlayer_lowered;
	s9 =	simm.s32 $_tile_overlayer_lowered  }
0x9e: {  	s23 =	simm.s32 $0x1BFF;
	s22 =	sshll.u32 s9, $0x1;
	s6 =	sadd.s32 s7, s20  }
0x9f: {  	s10 =	simm.s32 $0x0;
	s21 =	sshll.u32 s8, $0x1;
	s8 =	sadd.s32 s22, s6  }
0xa0: {  	[timem:s10], [sflag:s23] =	dma.local [hbm:s8], s21  }
0xa1: {  	_ =	swait.ge [sflag:s23], s21  }
0xa2: {  	s7 =	ssub.s32 $0x0, s21;
	[sflag:s23] =	ssyncset.done $0x0  }
0xa3: {  	[sflag:s23] =	ssyncadd.s32 s7;
	_ =	sdelay $0x1  }
0xa4: {  	s24 =	simm.s32 $0x1B8B  }
0xa5: {  	_ =	swait.ge [sflag:s24], $0x1  }
0xa6: {  	[sflag:s24] =	ssyncset.done $0x0  }
0xa7: {  	s25 =	simm.s32 $0x1B8E;
	[sflag:s24] =	ssyncadd.s32 $0xFFFFFFFF  }
0xa8: {  	s26 =	simm.s32 $execute0_lowered;
	[smem:$0x3FD2] =	sst s25  }
0xa9: {  	s7 =	sshll.u32 s26, $0x1;
	_ =	strace $0x80000046;
	[dreg:$0x1] =	wrdreg $0xFFFFFFFF  }
0xaa: {  	s28 =	simm.s32 $_size_execute0_lowered;
	s6 =	sadd.s32 s6, s7;
	[dreg:$0x0] =	wrdreg $0x0  }
0xab: {  	s7 =	sshll.u32 s28, $0x1;
	[dreg:$0x2] =	wrdreg s6  }
0xac: {  	[dreg:$0x3] =	wrdreg s7  }
0xad: {  	[dreg:$0x4] =	wrdreg $0xC0  }
0xae: {  	_ =	task [dreg:s10], $0x5FFFF  }
0xaf: {  	[dreg:$0x1] =	wrdreg $0xFFFFFFFF  }
0xb0: {  	[dreg:$0x0] =	wrdreg $0x60  }
0xb1: {  	[dreg:$0x2] =	wrdreg s2  }
0xb2: {  	[dreg:$0x3] =	wrdreg s19  }
0xb3: {  	[dreg:$0x4] =	wrdreg s4  }
0xb4: {  	[dreg:$0x5] =	wrdreg s5  }
0xb5: {  	[dreg:$0x6] =	wrdreg $0x9  }
0xb6: {  	_ =	task.clear_ibuf [dreg:s10], $0x7FFFF;
	_ =	strace $0x90000046  }
0xb7: {  	s29 =	simm.s32 $0x9;
	_ =	strace $0x80000048  }
0xb8: {  	_ =	swait.ge [sflag:s29], $0x1  }
0xb9: {  	[sflag:s29] =	ssyncadd.s32 $0xFFFFFFFF  }
0xba: {  	_ =	strace $0x90000048  }
0xbb: {  	_ =	sfence  }
0xbc: {  	s30 =	sld [smem:$0x0];
	_ =	sdelay $0x2  }
0xbd: {  	s31 =	sshll.u32 s1, $0xD;
	s1 =	sshrl.u32 s1, $0x2  }
0xbe: {  	s3 =	sand.u32 $0x4000, s31;
	s1 =	sadd.s32 s1, s30  }
0xbf: {  	s0 =	sor.u32 s3, s0;
	s1 =	sshll.u32 s1, $0x11  }
0xc0: {  	s0 =	sor.u32 s1, s0  }
0xc1: {  	s0 =	sadd.s32 $0x8F2B, s0  }
0xc2: {  	[sflag:s0] =	ssyncadd.remote.s32 $0x1  }
0xc3: {  	_ =	sfence.sel $0xFFFF  }
0xc4: {  	[dreg:$0x0] =	wrdreg $0xFFFFFFFF;
	(pc) =	sbr.abs _section_cstart, $3  }
0xc5: {  	[dreg:$0x1] =	wrdreg $0xFFFFFFFF  }
0xc6: {  	_ =	task.clear_ibuf [dreg:s10], $0x2FFFF;
	_ =	strace $0x9FFFFFFF  }
0xc7: {  	(tm) =	ssettm $0x7FFFFFFF  }
tec
execute0_lowered:
.L_overlay_start_1:
0x0: {  	(tag) =	ssettag $0x1  }
0x1: {  	s1 =	rddreg [dreg:$0x0]  }
0x2: {  	s2 =	rddreg [dreg:$0x1]  }
0x3: {  	s3 =	rddreg [dreg:$0x2]  }
0x4: {  	s4 =	rddreg [dreg:$0x3];
	s5 =	srdreg.scid  }
0x5: {  	s0 =	rddreg [dreg:$0x4];
	s6 =	simm.s32 $0x0;
	s11 =	simm.s32 $0x800  }
0x6: {  	s12 =	simm.s32 $0x880;
	s13 =	simm.s32 $0x0;
	s7 =	sand.u32 $0x1, s5  }
0x7: {  	[smem:$0x7FF] =	sst s6;
	s5 =	stileid.u32;
	s8 =	ssub.s32 $0x2, s7  }
0x8: {  	s10 =	sshll.u32 s5, $0x8;
	s7 =	sshll.u32 s7, $0x7;
	s9 =	sshrl.u32 s8, $0x1  }
0x9: {  	_ =	strace $0x80000047;
	s7 =	sor.u32 s7, s10;
	s8 =	ssub.s32 s8, s9  }
0xa: {  	v1 =	vimm.f32 $1.000000000e+00;
	s10 =	simm.s32 $0x400;
	s9 =	simm.s32 $0x1;
	v0 =	vmov s7;
	s8 =	smax.u32 s8, $0x1  }
.LBB2_1:
0xb: {  	[tilespmem:s6], [sflag:$0x1] =	stream.linear.gather [hbm4b:s2+s6], $0x400, $0x38;
	[tilespmem:$0x10880] =	vst v63  }
0xc: {  	_ =	swait.ge [sflag:s9], $0x400  }
0xd: {  	[sflag:s9] =	ssyncset.done $0x0  }
0xe: {  	[sflag:s9] =	ssyncadd.s32 $0xFFFFFC00  }
0xf: {  	[tilespmem:s10], [sflag:$0x1] =	stream.linear.gather [hbm4b:s3+s6], $0x400, $0x38;
	[tilespmem:$0x10880] =	vst v63  }
0x10: {  	_ =	swait.ge [sflag:s9], $0x400  }
0x11: {  	[sflag:s9] =	ssyncset.done $0x0  }
0x12: {  	[sflag:s9] =	ssyncadd.s32 $0xFFFFFC00  }
0x13: {  	[tilespmem:$0x800] =	vst v1  }
0x14: {  	[tilespmem:$0x810] =	vst v1  }
0x15: {  	[tilespmem:$0x820] =	vst v1  }
0x16: {  	[tilespmem:$0x830] =	vst v1  }
0x17: {  	[tilespmem:$0x840] =	vst v1  }
0x18: {  	[tilespmem:$0x850] =	vst v1  }
0x19: {  	[tilespmem:$0x860] =	vst v1  }
0x1a: {  	s14 =	simm.s32 $0x0;
	s15 =	simm.s32 $0x40;
	[tilespmem:$0x870] =	vst v1  }
.LBB2_2:
0x1b: {  	p0 =	sne.s32 s15, $0xFC0;
	v2 =	vld [tilespmem:s14+$0x0];
	_ =	sdelay $0x4  }
0x1c: {  	v3 =	vsub.s32 v2, v0  }
0x1d: {  	v2 =	vand.u32 $0x7F, v2;
	vm0 =	vlt.u32 v3, $0x80;
	v3 =	vand.u32 $0xFFFFFF80, v3  }
0x1e: {  	v4 =	vld [tilespmem:s14+$0x400];
	v2 =	vor.u32 v2, v3  }
.Ltmp0:
0x1f: {  	(pc) =	sbr.rel @p0 .LBB2_2-.Ltmp0, $2  }
0x20: {  	_ =	sdelay $0x2  }
0x21: {  	s14 =	sshra.s32 s15, $0x2;
	s15 =	sadd.s32 $0x40, s15;
	[tilespmem:v2+s11+$0x0] =	vst.idx.msk vm0, v4  }
0x22: {  	v2 =	vld [tilespmem:s14+$0x0];
	_ =	sdelay $0x4  }
0x23: {  	v3 =	vsub.s32 v2, v0  }
0x24: {  	v2 =	vand.u32 $0x7F, v2;
	vm0 =	vlt.u32 v3, $0x80;
	v3 =	vand.u32 $0xFFFFFF80, v3  }
0x25: {  	v4 =	vld [tilespmem:s14+$0x400];
	v2 =	vor.u32 v2, v3;
	_ =	sdelay $0x4  }
0x26: {  	s14 =	simm.s32 $0x0;
	s15 =	simm.s32 $0x0;
	[tilespmem:v2+s11+$0x0] =	vst.idx.msk vm0, v4  }
.LBB2_4:
0x27: {  	s16 =	sshll.u32 s15, $0xB  }
0x28: {  	s17 =	sshll.u32 s15, $0x6;
	s18 =	sand.u32 $0x7000, s16  }
0x29: {  	s16 =	sand.u32 $0x40, s17;
	s30 =	sor.u32 s7, s18  }
0x2a: {  	s17 =	sor.u32 s16, s30  }
0x2b: {  	s17 =	sshll.u32 s17, $0x7  }
0x2c: {  	s31 =	sadd.s32 s1, s17  }
0x2d: {  	[tilespmem:s12], [sflag:$0x1] =	stream.linear.gather [hbm4b:s31+s14], $0x10000, $0x38;
	[tilespmem:$0x10880] =	vst v63  }
0x2e: {  	_ =	swait.ge [sflag:s9], $0x10000  }
0x2f: {  	[sflag:s9] =	ssyncset.done $0x0  }
0x30: {  	s18 =	simm.s32 $0x0;
	[sflag:s9] =	ssyncadd.s32 $0xFFFF0000  }
.LBB2_5:
0x31: {  	s19 =	sadd.s32 s16, s18  }
0x32: {  	s30 =	sshll.u32 s18, $0xA;
	s20 =	sshll.u32 s18, $0x7;
	v2 =	vmov s19  }
0x33: {  	s19 =	sand.u32 $0xE000, s30;
	s20 =	sand.u32 $0x380, s20  }
0x34: {  	s31 =	simm.s32 $0x0;
	s19 =	sor.u32 s20, s19  }
0x35: {  	s21 =	sand.u32 $0x1C00, s31;
	s19 =	sadd.s32 $0x880, s19  }
0x36: {  	s20 =	sand.u32 $0x70, s31;
	s21 =	sadd.s32 s21, s19  }
0x37: {  	s20 =	sadd.s32 s20, s21;
	v2 =	vld.idx.msk [tilespmem:v2+s11+$0x0], $0xffff  }
0x38: {  	v3 =	vld [tilespmem:s20+$0x0];
	_ =	sdelay $0x3  }
0x39: {  	s21 =	simm.s32 $0x80  }
0x3a: {  	s23 =	simm.s32 $0x10;
	s22 =	simm.s32 $0x20;
	s24 =	sand.u32 $0x1C00, s21;
	v3 =	vmul.f32 v3, v2  }
.LBB2_6:
0x3b: {  	p0 =	sne.s32 s22, $0x3F0;
	s23 =	sand.u32 $0x70, s23;
	s24 =	sadd.s32 s24, s19  }
0x3c: {  	[tilespmem:s20+$0x0] =	vst v3;
	s20 =	sadd.s32 s23, s24;
	s23 =	smov.u32 s22  }
0x3d: {  	v3 =	vld [tilespmem:s20+$0x0]  }
.Ltmp1:
0x3e: {  	(pc) =	sbr.rel @p0 .LBB2_6-.Ltmp1, $3  }
0x3f: {  	_ =	sdelay $0x1  }
0x40: {  	s21 =	sadd.s32 $0x80, s21  }
0x41: {  	s24 =	sand.u32 $0x1C00, s21;
	s22 =	sadd.s32 $0x10, s22;
	v3 =	vmul.f32 v3, v2  }
0x42: {  	s21 =	sand.u32 $0x70, s23;
	s19 =	sadd.s32 s24, s19  }
0x43: {  	s19 =	sadd.s32 s21, s19;
	[tilespmem:s20+$0x0] =	vst v3  }
0x44: {  	v3 =	vld [tilespmem:s19+$0x0]  }
0x45: {  	s18 =	sadd.s32 $0x1, s18  }
0x46: {  	p0 =	sne.s32 s18, $0x40  }
.Ltmp2:
0x47: {  	_ = 	snop;
	(pc) =	sbr.rel @p0 .LBB2_5-.Ltmp2, $3  }
0x48: {  	_ = 	snop  }
0x49: {  	v2 =	vmul.f32 v3, v2;
	_ =	sdelay $0x1  }
0x4a: {  	[tilespmem:s19+$0x0] =	vst v2  }
0x4b: {  	s15 =	sadd.s32 $0x1, s15  }
0x4c: {  	p0 =	sne.s32 s15, $0x10  }
.Ltmp3:
0x4d: {  	s16 =	sadd.s32 s4, s17;
	(pc) =	sbr.rel @p0 .LBB2_4-.Ltmp3, $4  }
0x4e: {  	[hbm4b:s16+s6] =	stream.linear.scatter [tilespmem:s12], [sflag:$0x1], $0x10000, $0x38;
	[tilespmem:$0x10880] =	vst v63  }
0x4f: {  	_ =	swait.ge [sflag:s9], $0x10000  }
0x50: {  	[sflag:s9] =	ssyncset.done $0x0  }
0x51: {  	[sflag:s9] =	ssyncadd.s32 $0xFFFF0000  }
0x52: {  	s13 =	sadd.s32 $0x1, s13  }
0x53: {  	p0 =	sne.s32 s13, s8  }
.Ltmp4:
0x54: {  	_ = 	snop;
	(pc) =	sbr.rel @p0 .LBB2_1-.Ltmp4, $1  }
0x55: {  	_ =	sdelay $0x3  }
0x56: {  	_ =	sfence.sel $0x180000  }
0x57: {  	[bflag:$0x0] =	sbarrier.arrive $0xFFFF  }
0x58: {  	p0 =	sne.s32 s5, $0x0;
	_ =	strace $0x90000047  }
0x59: {  	s0 =	sadd.s32 @!p0 $0x100000, s0;
	[bflag:$0x2] =	sbarrier.arrive $0xFFFF  }
0x5a: {  	[sflag:s0] =	ssyncadd.tile.s32 @!p0 $0x1;
	_ =	shalt  }
.Lfunc_end2:
_tile_overlayer_lowered:
.L_overlay_start_2:
0x5b: {  	(tag) =	ssettag $0x2  }
0x5c: {  	s0 =	rddreg [dreg:$0x0];
	s2 =	stileid.u32  }
0x5d: {  	s1 =	rddreg [dreg:$0x1];
	p0 =	sne.s32 s2, $0x0  }
0x5e: {  	s3 =	rddreg [dreg:$0x2];
	[bflag:$0x3] =	sbarrier.arrive $0xFFFF;
	s2 =	simm.s32 @!p0 $0x1C01  }
0x5f: {  	[timem:s3], [sflag:s2] =	dma.local @!p0 [hbm:s0], s1  }
0x60: {  	s0 =	simm.s32 @!p0 $0x1  }
0x61: {  	_ =	swait.ge @!p0 [sflag:s0], s1  }
0x62: {  	s1 =	ssub.s32 @!p0 $0x0, s1;
	[sflag:s0] =	ssyncset.done @!p0 $0x0  }
0x63: {  	[sflag:s0] =	ssyncadd.s32 @!p0 s1  }
0x64: {  	[bflag:$0x3] =	sbarrier.arrive $0xFFFF  }
0x65: {  	_ =	shalt  }

</sc_bundles>
